<compile_context>
chip_gen: v7x
topology: tpu7x:2x2x1
jax: 0.10.2.dev20260603
libtpu: 0.0.44.dev20260713+nightly
codegen_flags: <defaults>
</compile_context>

<pallas_src>
import jax
import jax.numpy as jnp
from jax import lax
from jax.experimental import pallas as pl
from jax.experimental.pallas import tpu as pltpu
from jax.experimental.pallas import tpu_sc as plsc

N = 10000
E = 320000
D = 128

NC = 2
NS = 16
NW = NC * NS
CHUNK = 128
CH = 79
EP = NW * CH * CHUNK
NPAD = 10240
ROWS_PER_TILE = NPAD // NS
BLK = 512
GRID = NPAD // BLK


def _mesh():
    return plsc.VectorSubcoreMesh(core_axis_name="c", subcore_axis_name="s")


def _deg_body(colp_hbm, out_hbm, col_v, ones_v, zbuf_v, dacc):
    c = lax.axis_index("c")
    s = lax.axis_index("s")
    w = c * NS + s

    @pl.loop(0, ROWS_PER_TILE // 16)
    def _(i):
        zbuf_v[pl.ds(i * 16, 16)] = jnp.zeros((16,), jnp.float32)

    for k in range(CHUNK // 16):
        ones_v[pl.ds(k * 16, 16)] = jnp.ones((16,), jnp.float32)

    pltpu.sync_copy(zbuf_v, dacc.at[pl.ds(s * ROWS_PER_TILE, ROWS_PER_TILE)])
    plsc.subcore_barrier()

    pltpu.sync_copy(colp_hbm.at[w], col_v)

    @pl.loop(0, CH)
    def _(j):
        pltpu.sync_copy(ones_v, dacc.at[col_v.at[j]], add=True)

    plsc.subcore_barrier()
    pltpu.sync_copy(
        dacc.at[pl.ds(s * ROWS_PER_TILE, ROWS_PER_TILE)],
        out_hbm.at[c, pl.ds(s * ROWS_PER_TILE, ROWS_PER_TILE)],
    )


@jax.jit
def _deg_sc(colp):
    return pl.kernel(
        _deg_body,
        out_type=jax.ShapeDtypeStruct((NC, NPAD), jnp.float32),
        mesh=_mesh(),
        scratch_types=[
            pltpu.VMEM((CH, CHUNK), jnp.int32),
            pltpu.VMEM((CHUNK,), jnp.float32),
            pltpu.VMEM((ROWS_PER_TILE,), jnp.float32),
            pltpu.VMEM_SHARED((NPAD,), jnp.float32),
        ],
    )(colp)


def _agg_body(xws_hbm, rowp_hbm, colp_hbm, out_hbm, row_v, col_v, rows_v, sem, acc):
    c = lax.axis_index("c")
    s = lax.axis_index("s")
    w = c * NS + s

    @pl.loop(0, CHUNK)
    def _(r):
        for k in range(D // 16):
            rows_v[r, pl.ds(k * 16, 16)] = jnp.zeros((16,), jnp.float32)

    for b in range(ROWS_PER_TILE // CHUNK):
        pltpu.sync_copy(
            rows_v, acc.at[pl.ds(s * ROWS_PER_TILE + b * CHUNK, CHUNK)]
        )
    plsc.subcore_barrier()

    pltpu.sync_copy(rowp_hbm.at[w], row_v)
    pltpu.sync_copy(colp_hbm.at[w], col_v)

    @pl.loop(0, CH)
    def _(j):
        pltpu.async_copy(xws_hbm.at[row_v.at[j]], rows_v, sem).wait()
        pltpu.sync_copy(rows_v, acc.at[col_v.at[j]], add=True)

    plsc.subcore_barrier()
    pltpu.sync_copy(
        acc.at[pl.ds(s * ROWS_PER_TILE, ROWS_PER_TILE)],
        out_hbm.at[c, pl.ds(s * ROWS_PER_TILE, ROWS_PER_TILE)],
    )


@jax.jit
def _agg_sc(xws, rowp, colp):
    return pl.kernel(
        _agg_body,
        out_type=jax.ShapeDtypeStruct((NC, NPAD, D), jnp.float32),
        mesh=_mesh(),
        scratch_types=[
            pltpu.VMEM((CH, CHUNK), jnp.int32),
            pltpu.VMEM((CH, CHUNK), jnp.int32),
            pltpu.VMEM((CHUNK, D), jnp.float32),
            pltpu.SemaphoreType.DMA,
            pltpu.VMEM_SHARED((NPAD, D), jnp.float32),
        ],
    )(xws, rowp, colp)


def _mm_body(x_ref, w_ref, d0_ref, d1_ref, o_ref):
    d = d0_ref[...] + d1_ref[...]
    dinv = jnp.where(d > 0.0, lax.rsqrt(d), 0.0)
    xw = jnp.dot(x_ref[...], w_ref[...], preferred_element_type=jnp.float32)
    o_ref[...] = xw * dinv[:, None]


@jax.jit
def _mm_tc(xp, W, d0, d1):
    return pl.pallas_call(
        _mm_body,
        grid=(GRID,),
        in_specs=[
            pl.BlockSpec((BLK, D), lambda i: (i, 0)),
            pl.BlockSpec((D, D), lambda i: (0, 0)),
            pl.BlockSpec((BLK,), lambda i: (i,)),
            pl.BlockSpec((BLK,), lambda i: (i,)),
        ],
        out_specs=pl.BlockSpec((BLK, D), lambda i: (i, 0)),
        out_shape=jax.ShapeDtypeStruct((NPAD, D), jnp.float32),
    )(xp, W, d0, d1)


def _fin_body(p0_ref, p1_ref, d0_ref, d1_ref, o_ref):
    d = d0_ref[...] + d1_ref[...]
    dinv = jnp.where(d > 0.0, lax.rsqrt(d), 0.0)
    o_ref[...] = (p0_ref[...] + p1_ref[...]) * dinv[:, None]


@jax.jit
def _fin_tc(p0, p1, d0, d1):
    return pl.pallas_call(
        _fin_body,
        grid=(GRID,),
        in_specs=[
            pl.BlockSpec((BLK, D), lambda i: (i, 0)),
            pl.BlockSpec((BLK, D), lambda i: (i, 0)),
            pl.BlockSpec((BLK,), lambda i: (i,)),
            pl.BlockSpec((BLK,), lambda i: (i,)),
        ],
        out_specs=pl.BlockSpec((BLK, D), lambda i: (i, 0)),
        out_shape=jax.ShapeDtypeStruct((NPAD, D), jnp.float32),
    )(p0, p1, d0, d1)


def kernel(x, edge_index, W):
    row = edge_index[0].astype(jnp.int32)
    col = edge_index[1].astype(jnp.int32)
    rowp = jnp.pad(row, (0, EP - E)).reshape(NW, CH, CHUNK)
    colp = jnp.pad(col, (0, EP - E), constant_values=N).reshape(NW, CH, CHUNK)

    deg2 = _deg_sc(colp)
    d0 = deg2[0]
    d1 = deg2[1]

    xp = jnp.pad(x, ((0, NPAD - N), (0, 0)))
    xws = _mm_tc(xp, W, d0, d1)

    part = _agg_sc(xws, rowp, colp)
    out = _fin_tc(part[0], part[1], d0, d1)
    return out[:N]

# --- scband reference (transcript-rebuilt; emitter-appended) ---
"""Pipeline reference for scband-light-gcn-5265629905633 (READ-ONLY COPY).

The authoritative reference and input builder live on the scoring server;
editing this copy changes nothing except your own understanding.
"""

import jax, jax.numpy as jnp
import numpy as np

N_NODES = 10000
N_EDGES = 320000
D_IN = 128
D_OUT = 128


def setup_inputs(seed: int = 0) -> dict:
    key = jax.random.key(seed)
    k1, k2, k3 = jax.random.split(key, 3)
    x = jax.random.normal(k1, (N_NODES, D_IN), dtype=jnp.float32)
    edge_index = jax.random.randint(k2, (2, N_EDGES), 0, N_NODES, dtype=jnp.int64)
    # GCNConv linear weight (glorot-ish init), bias=False
    W = jax.random.normal(k3, (D_IN, D_OUT), dtype=jnp.float32) * (1.0 / np.sqrt(D_IN))
    return {"x": x, "edge_index": edge_index, "W": W}


def reference(x, edge_index, W):
    # GCNConv with add_self_loops=False, bias=False (LightGCN single layer)
    N = x.shape[0]
    xw = x @ W
    row = edge_index[0]
    col = edge_index[1]
    ones = jnp.ones((row.shape[0],), dtype=x.dtype)
    deg = jax.ops.segment_sum(ones, col, num_segments=N)
    deg_inv_sqrt = jnp.where(deg > 0, 1.0 / jnp.sqrt(deg), 0.0)
    norm = deg_inv_sqrt[row] * deg_inv_sqrt[col]
    msgs = norm[:, None] * jnp.take(xw, row, axis=0)
    out = jax.ops.segment_sum(msgs, col, num_segments=N)
    return out

if __name__ == "__main__":
    import jax
    _d = setup_inputs()
    print(jax.jit(kernel)(*tuple(_d.values())))

</pallas_src>

<mosaic_0001>
#map = affine_map<(d0, d1) -> (0, 0, 0)>
#map1 = affine_map<(d0, d1) -> (0, 0)>
module attributes {stable_mosaic.version = 14 : i64} {
  func.func @_deg_body(%arg0: i32, %arg1: i32, %arg2: memref<32x79x128xi32, #tpu.memory_space<hbm>>, %arg3: memref<2x10240xf32, #tpu.memory_space<hbm>>, %arg4: memref<79x128xi32, #tpu.memory_space<vmem>>, %arg5: memref<128xf32, #tpu.memory_space<vmem>>, %arg6: memref<640xf32, #tpu.memory_space<vmem>>, %arg7: memref<10240xf32, #tpu.memory_space<vmem_shared>>) attributes {dimension_semantics = [#tpu.dimension_semantics<core_parallel>, #tpu.dimension_semantics<subcore_parallel>], iteration_bounds = array<i64: 2, 16>, scalar_prefetch = 0 : i64, scratch_operands = 4 : i64, tpu.core_type = #tpu.core_type<sc_vector_subcore>, window_params = [{transform_indices = #map}, {transform_indices = #map1}]} {
    %mul3A = arith.constant 16 : i32
    %mul3A_0 = arith.muli %arg0, %mul3A : i32
    %add3A = arith.addi %mul3A_0, %arg1 : i32
    %scan3A = arith.constant 0 : i32
    %scan3A_1 = arith.constant 40 : i32
    %scan3A_2 = arith.addi %scan3A, %scan3A_1 : i32
    %scan3A_3 = arith.constant 1 : i32
    scf.for %scan3A_63 = %scan3A to %scan3A_2 step %scan3A_3  : i32 {
      %mul3A_64 = arith.constant 1 : i32
      %mul3A_65 = arith.muli %scan3A_63, %mul3A_64 : i32
      %add3A_66 = arith.constant 0 : i32
      %add3A_67 = arith.addi %add3A_66, %mul3A_65 : i32
      %broadcast_in_dim3A_68 = arith.constant 0.000000e+00 : f32
      %broadcast_in_dim3A_69 = vector.broadcast %broadcast_in_dim3A_68 : f32 to vector<16xf32>
      %mul3A_70 = arith.constant 16 : i32
      %mul3A_71 = arith.muli %add3A_67, %mul3A_70 : i32
      %swap3A_72 = arith.index_cast %mul3A_71 : i32 to index
      %swap3A_73 = tpu.vector_load %arg6[%swap3A_72] {strides = array<i32>} : memref<640xf32, #tpu.memory_space<vmem>>, vector<16xf32>,
      %swap3A_74 = vector.shape_cast %swap3A_73 : vector<16xf32> to vector<16xf32>
      %swap3A_75 = vector.shape_cast %broadcast_in_dim3A_69 : vector<16xf32> to vector<16xf32>
      tpu.vector_store %arg6[%swap3A_72], %swap3A_75 {strides = array<i32>} : memref<640xf32, #tpu.memory_space<vmem>>, vector<16xf32>,
    }
    %scan3A_4 = arith.constant 40 : i32
    %broadcast_in_dim3A = arith.constant 1.000000e+00 : f32
    %broadcast_in_dim3A_5 = vector.broadcast %broadcast_in_dim3A : f32 to vector<16xf32>
    %swap3A = arith.constant 0 : index
    %swap3A_6 = tpu.vector_load %arg5[%swap3A] {strides = array<i32>} : memref<128xf32, #tpu.memory_space<vmem>>, vector<16xf32>,
    %swap3A_7 = vector.shape_cast %swap3A_6 : vector<16xf32> to vector<16xf32>
    %swap3A_8 = vector.shape_cast %broadcast_in_dim3A_5 : vector<16xf32> to vector<16xf32>
    tpu.vector_store %arg5[%swap3A], %swap3A_8 {strides = array<i32>} : memref<128xf32, #tpu.memory_space<vmem>>, vector<16xf32>,
    %broadcast_in_dim3A_9 = arith.constant 1.000000e+00 : f32
    %broadcast_in_dim3A_10 = vector.broadcast %broadcast_in_dim3A_9 : f32 to vector<16xf32>
    %swap3A_11 = arith.constant 16 : index
    %swap3A_12 = tpu.vector_load %arg5[%swap3A_11] {strides = array<i32>} : memref<128xf32, #tpu.memory_space<vmem>>, vector<16xf32>,
    %swap3A_13 = vector.shape_cast %swap3A_12 : vector<16xf32> to vector<16xf32>
    %swap3A_14 = vector.shape_cast %broadcast_in_dim3A_10 : vector<16xf32> to vector<16xf32>
    tpu.vector_store %arg5[%swap3A_11], %swap3A_14 {strides = array<i32>} : memref<128xf32, #tpu.memory_space<vmem>>, vector<16xf32>,
    %broadcast_in_dim3A_15 = arith.constant 1.000000e+00 : f32
    %broadcast_in_dim3A_16 = vector.broadcast %broadcast_in_dim3A_15 : f32 to vector<16xf32>
    %swap3A_17 = arith.constant 32 : index
    %swap3A_18 = tpu.vector_load %arg5[%swap3A_17] {strides = array<i32>} : memref<128xf32, #tpu.memory_space<vmem>>, vector<16xf32>,
    %swap3A_19 = vector.shape_cast %swap3A_18 : vector<16xf32> to vector<16xf32>
    %swap3A_20 = vector.shape_cast %broadcast_in_dim3A_16 : vector<16xf32> to vector<16xf32>
    tpu.vector_store %arg5[%swap3A_17], %swap3A_20 {strides = array<i32>} : memref<128xf32, #tpu.memory_space<vmem>>, vector<16xf32>,
    %broadcast_in_dim3A_21 = arith.constant 1.000000e+00 : f32
    %broadcast_in_dim3A_22 = vector.broadcast %broadcast_in_dim3A_21 : f32 to vector<16xf32>
    %swap3A_23 = arith.constant 48 : index
    %swap3A_24 = tpu.vector_load %arg5[%swap3A_23] {strides = array<i32>} : memref<128xf32, #tpu.memory_space<vmem>>, vector<16xf32>,
    %swap3A_25 = vector.shape_cast %swap3A_24 : vector<16xf32> to vector<16xf32>
    %swap3A_26 = vector.shape_cast %broadcast_in_dim3A_22 : vector<16xf32> to vector<16xf32>
    tpu.vector_store %arg5[%swap3A_23], %swap3A_26 {strides = array<i32>} : memref<128xf32, #tpu.memory_space<vmem>>, vector<16xf32>,
    %broadcast_in_dim3A_27 = arith.constant 1.000000e+00 : f32
    %broadcast_in_dim3A_28 = vector.broadcast %broadcast_in_dim3A_27 : f32 to vector<16xf32>
    %swap3A_29 = arith.constant 64 : index
    %swap3A_30 = tpu.vector_load %arg5[%swap3A_29] {strides = array<i32>} : memref<128xf32, #tpu.memory_space<vmem>>, vector<16xf32>,
    %swap3A_31 = vector.shape_cast %swap3A_30 : vector<16xf32> to vector<16xf32>
    %swap3A_32 = vector.shape_cast %broadcast_in_dim3A_28 : vector<16xf32> to vector<16xf32>
    tpu.vector_store %arg5[%swap3A_29], %swap3A_32 {strides = array<i32>} : memref<128xf32, #tpu.memory_space<vmem>>, vector<16xf32>,
    %broadcast_in_dim3A_33 = arith.constant 1.000000e+00 : f32
    %broadcast_in_dim3A_34 = vector.broadcast %broadcast_in_dim3A_33 : f32 to vector<16xf32>
    %swap3A_35 = arith.constant 80 : index
    %swap3A_36 = tpu.vector_load %arg5[%swap3A_35] {strides = array<i32>} : memref<128xf32, #tpu.memory_space<vmem>>, vector<16xf32>,
    %swap3A_37 = vector.shape_cast %swap3A_36 : vector<16xf32> to vector<16xf32>
    %swap3A_38 = vector.shape_cast %broadcast_in_dim3A_34 : vector<16xf32> to vector<16xf32>
    tpu.vector_store %arg5[%swap3A_35], %swap3A_38 {strides = array<i32>} : memref<128xf32, #tpu.memory_space<vmem>>, vector<16xf32>,
    %broadcast_in_dim3A_39 = arith.constant 1.000000e+00 : f32
    %broadcast_in_dim3A_40 = vector.broadcast %broadcast_in_dim3A_39 : f32 to vector<16xf32>
    %swap3A_41 = arith.constant 96 : index
    %swap3A_42 = tpu.vector_load %arg5[%swap3A_41] {strides = array<i32>} : memref<128xf32, #tpu.memory_space<vmem>>, vector<16xf32>,
    %swap3A_43 = vector.shape_cast %swap3A_42 : vector<16xf32> to vector<16xf32>
    %swap3A_44 = vector.shape_cast %broadcast_in_dim3A_40 : vector<16xf32> to vector<16xf32>
    tpu.vector_store %arg5[%swap3A_41], %swap3A_44 {strides = array<i32>} : memref<128xf32, #tpu.memory_space<vmem>>, vector<16xf32>,
    %broadcast_in_dim3A_45 = arith.constant 1.000000e+00 : f32
    %broadcast_in_dim3A_46 = vector.broadcast %broadcast_in_dim3A_45 : f32 to vector<16xf32>
    %swap3A_47 = arith.constant 112 : index
    %swap3A_48 = tpu.vector_load %arg5[%swap3A_47] {strides = array<i32>} : memref<128xf32, #tpu.memory_space<vmem>>, vector<16xf32>,
    %swap3A_49 = vector.shape_cast %swap3A_48 : vector<16xf32> to vector<16xf32>
    %swap3A_50 = vector.shape_cast %broadcast_in_dim3A_46 : vector<16xf32> to vector<16xf32>
    tpu.vector_store %arg5[%swap3A_47], %swap3A_50 {strides = array<i32>} : memref<128xf32, #tpu.memory_space<vmem>>, vector<16xf32>,
    %mul3A_51 = arith.constant 640 : i32
    %mul3A_52 = arith.muli %arg1, %mul3A_51 : i32
    "tpu.region"() ({
      %run_scoped3A = tpu.sem_alloc : memref<!tpu.dma_semaphore, #tpu.memory_space<semaphore_mem>>
      %dma_start3A = tpu.memref_slice %arg7[%mul3A_52] : memref<10240xf32, #tpu.memory_space<vmem_shared>> -> memref<640xf32, #tpu.memory_space<vmem_shared>>
      %dma_start3A_63 = tpu.memref_slice %arg7[%mul3A_52] : memref<10240xf32, #tpu.memory_space<vmem_shared>> -> memref<640xf32, #tpu.memory_space<vmem_shared>>
      tpu.enqueue_dma source(%arg6 : memref<640xf32, #tpu.memory_space<vmem>>) target(%dma_start3A_63 : memref<640xf32, #tpu.memory_space<vmem_shared>>) target_semaphore(%run_scoped3A : memref<!tpu.dma_semaphore, #tpu.memory_space<semaphore_mem>>)
      %dma_wait3A = tpu.memref_slice %arg7[%mul3A_52] : memref<10240xf32, #tpu.memory_space<vmem_shared>> -> memref<640xf32, #tpu.memory_space<vmem_shared>>
      %dma_wait3A_64 = tpu.memref_slice %arg7[%mul3A_52] : memref<10240xf32, #tpu.memory_space<vmem_shared>> -> memref<640xf32, #tpu.memory_space<vmem_shared>>
      tpu.wait_dma2 semaphore(%run_scoped3A : memref<!tpu.dma_semaphore, #tpu.memory_space<semaphore_mem>>) src(%arg6 : memref<640xf32, #tpu.memory_space<vmem>>) dst(%dma_wait3A_64 : memref<640xf32, #tpu.memory_space<vmem_shared>>)
      tpu.yield
    }) : () -> ()
    %barrier3A = arith.constant 0 : index
    tpu.barrier barrier_id(%barrier3A)
    "tpu.region"() ({
      %run_scoped3A = tpu.sem_alloc : memref<!tpu.dma_semaphore, #tpu.memory_space<semaphore_mem>>
      %dma_start3A = arith.constant 0 : i32
      %dma_start3A_63 = arith.constant 0 : i32
      %dma_start3A_64 = tpu.memref_slice %arg2[%add3A, %dma_start3A, %dma_start3A_63] : memref<32x79x128xi32, #tpu.memory_space<hbm>> -> memref<1x79x128xi32, #tpu.memory_space<hbm>>
      %dma_start3A_65 = tpu.memref_squeeze %dma_start3A_64 : memref<1x79x128xi32, #tpu.memory_space<hbm>> -> memref<79x128xi32, #tpu.memory_space<hbm>>
      %dma_start3A_66 = arith.constant 0 : i32
      %dma_start3A_67 = arith.constant 0 : i32
      %dma_start3A_68 = tpu.memref_slice %arg2[%add3A, %dma_start3A_66, %dma_start3A_67] : memref<32x79x128xi32, #tpu.memory_space<hbm>> -> memref<1x79x128xi32, #tpu.memory_space<hbm>>
      %dma_start3A_69 = tpu.memref_squeeze %dma_start3A_68 : memref<1x79x128xi32, #tpu.memory_space<hbm>> -> memref<79x128xi32, #tpu.memory_space<hbm>>
      tpu.enqueue_dma source(%dma_start3A_69 : memref<79x128xi32, #tpu.memory_space<hbm>>) target(%arg4 : memref<79x128xi32, #tpu.memory_space<vmem>>) target_semaphore(%run_scoped3A : memref<!tpu.dma_semaphore, #tpu.memory_space<semaphore_mem>>)
      %dma_wait3A = arith.constant 0 : i32
      %dma_wait3A_70 = arith.constant 0 : i32
      %dma_wait3A_71 = tpu.memref_slice %arg2[%add3A, %dma_wait3A, %dma_wait3A_70] : memref<32x79x128xi32, #tpu.memory_space<hbm>> -> memref<1x79x128xi32, #tpu.memory_space<hbm>>
      %dma_wait3A_72 = tpu.memref_squeeze %dma_wait3A_71 : memref<1x79x128xi32, #tpu.memory_space<hbm>> -> memref<79x128xi32, #tpu.memory_space<hbm>>
      %dma_wait3A_73 = arith.constant 0 : i32
      %dma_wait3A_74 = arith.constant 0 : i32
      %dma_wait3A_75 = tpu.memref_slice %arg2[%add3A, %dma_wait3A_73, %dma_wait3A_74] : memref<32x79x128xi32, #tpu.memory_space<hbm>> -> memref<1x79x128xi32, #tpu.memory_space<hbm>>
      %dma_wait3A_76 = tpu.memref_squeeze %dma_wait3A_75 : memref<1x79x128xi32, #tpu.memory_space<hbm>> -> memref<79x128xi32, #tpu.memory_space<hbm>>
      tpu.wait_dma2 semaphore(%run_scoped3A : memref<!tpu.dma_semaphore, #tpu.memory_space<semaphore_mem>>) src(%dma_wait3A_76 : memref<79x128xi32, #tpu.memory_space<hbm>>) dst(%arg4 : memref<79x128xi32, #tpu.memory_space<vmem>>)
      tpu.yield
    }) : () -> ()
    %scan3A_53 = arith.constant 0 : i32
    %scan3A_54 = arith.constant 79 : i32
    %scan3A_55 = arith.addi %scan3A_53, %scan3A_54 : i32
    %scan3A_56 = arith.constant 1 : i32
    scf.for %scan3A_63 = %scan3A_53 to %scan3A_55 step %scan3A_56  : i32 {
      %mul3A_64 = arith.constant 1 : i32
      %mul3A_65 = arith.muli %scan3A_63, %mul3A_64 : i32
      %add3A_66 = arith.constant 0 : i32
      %add3A_67 = arith.addi %add3A_66, %mul3A_65 : i32
      "tpu.region"() ({
        %run_scoped3A = tpu.sem_alloc : memref<!tpu.dma_semaphore, #tpu.memory_space<semaphore_mem>>
        %dma_start3A = arith.constant 0 : i32
        %dma_start3A_68 = tpu.memref_slice %arg4[%add3A_67, %dma_start3A] : memref<79x128xi32, #tpu.memory_space<vmem>> -> memref<1x128xi32, #tpu.memory_space<vmem>>
        %dma_start3A_69 = tpu.memref_squeeze %dma_start3A_68 : memref<1x128xi32, #tpu.memory_space<vmem>> -> memref<128xi32, #tpu.memory_space<vmem>>
        %dma_start3A_70 = arith.constant 0 : i32
        %dma_start3A_71 = tpu.memref_slice %arg7[%dma_start3A_70] : memref<10240xf32, #tpu.memory_space<vmem_shared>> -> memref<10240xf32, #tpu.memory_space<vmem_shared>>
        tpu.enqueue_indirect_dma source(%arg5 : memref<128xf32, #tpu.memory_space<vmem>>) target(%dma_start3A_71 : memref<10240xf32, #tpu.memory_space<vmem_shared>>) offsets(%dma_start3A_69 : memref<128xi32, #tpu.memory_space<vmem>>) semaphore(%run_scoped3A : memref<!tpu.dma_semaphore, #tpu.memory_space<semaphore_mem>>) {add = true}
        %dma_wait3A = arith.constant 0 : i32
        %dma_wait3A_72 = tpu.memref_slice %arg4[%add3A_67, %dma_wait3A] : memref<79x128xi32, #tpu.memory_space<vmem>> -> memref<1x128xi32, #tpu.memory_space<vmem>>
        %dma_wait3A_73 = tpu.memref_squeeze %dma_wait3A_72 : memref<1x128xi32, #tpu.memory_space<vmem>> -> memref<128xi32, #tpu.memory_space<vmem>>
        %dma_wait3A_74 = arith.constant 0 : i32
        %dma_wait3A_75 = tpu.memref_slice %arg7[%dma_wait3A_74] : memref<10240xf32, #tpu.memory_space<vmem_shared>> -> memref<10240xf32, #tpu.memory_space<vmem_shared>>
        tpu.wait_indirect_dma semaphore(%run_scoped3A : memref<!tpu.dma_semaphore, #tpu.memory_space<semaphore_mem>>) src(%arg5 : memref<128xf32, #tpu.memory_space<vmem>>) dst(%dma_wait3A_75 : memref<10240xf32, #tpu.memory_space<vmem_shared>>)
        tpu.yield
      }) : () -> ()
    }
    %scan3A_57 = arith.constant 79 : i32
    %barrier3A_58 = arith.constant 0 : index
    tpu.barrier barrier_id(%barrier3A_58)
    %mul3A_59 = arith.constant 640 : i32
    %mul3A_60 = arith.muli %arg1, %mul3A_59 : i32
    %mul3A_61 = arith.constant 640 : i32
    %mul3A_62 = arith.muli %arg1, %mul3A_61 : i32
    "tpu.region"() ({
      %run_scoped3A = tpu.sem_alloc : memref<!tpu.dma_semaphore, #tpu.memory_space<semaphore_mem>>
      %dma_start3A = tpu.memref_slice %arg3[%arg0, %mul3A_62] : memref<2x10240xf32, #tpu.memory_space<hbm>> -> memref<1x640xf32, #tpu.memory_space<hbm>>
      %dma_start3A_63 = tpu.memref_squeeze %dma_start3A : memref<1x640xf32, #tpu.memory_space<hbm>> -> memref<640xf32, #tpu.memory_space<hbm>>
      %dma_start3A_64 = tpu.memref_slice %arg7[%mul3A_60] : memref<10240xf32, #tpu.memory_space<vmem_shared>> -> memref<640xf32, #tpu.memory_space<vmem_shared>>
      tpu.enqueue_dma source(%dma_start3A_64 : memref<640xf32, #tpu.memory_space<vmem_shared>>) target(%dma_start3A_63 : memref<640xf32, #tpu.memory_space<hbm>>) target_semaphore(%run_scoped3A : memref<!tpu.dma_semaphore, #tpu.memory_space<semaphore_mem>>)
      %dma_wait3A = tpu.memref_slice %arg3[%arg0, %mul3A_62] : memref<2x10240xf32, #tpu.memory_space<hbm>> -> memref<1x640xf32, #tpu.memory_space<hbm>>
      %dma_wait3A_65 = tpu.memref_squeeze %dma_wait3A : memref<1x640xf32, #tpu.memory_space<hbm>> -> memref<640xf32, #tpu.memory_space<hbm>>
      %dma_wait3A_66 = tpu.memref_slice %arg7[%mul3A_60] : memref<10240xf32, #tpu.memory_space<vmem_shared>> -> memref<640xf32, #tpu.memory_space<vmem_shared>>
      tpu.wait_dma2 semaphore(%run_scoped3A : memref<!tpu.dma_semaphore, #tpu.memory_space<semaphore_mem>>) src(%dma_wait3A_66 : memref<640xf32, #tpu.memory_space<vmem_shared>>) dst(%dma_wait3A_65 : memref<640xf32, #tpu.memory_space<hbm>>)
      tpu.yield
    }) : () -> ()
    return
  }
}

</mosaic_0001>

<sc_bundles>
// kernel: _deg_sc.3.cloned.1.call-start
scs
__scs_entry_jumppad:
0x0: {  	(pc) =	sbr.rel $0x88, $3  }
0x1: {  	(tag) =	ssettag $0x0;
	lr =	simm.s32 $0x1  }
0x2: {  	[smem:$0x3FA0] =	sst lr;
	_ =	strace $0xD0000000  }
0x3: {  	_ = 	snop  }
0x4: {  	_ = 	snop  }
0x5: {  	_ = 	snop  }
0x6: {  	_ = 	snop  }
0x7: {  	_ = 	snop  }
__scs_overlays_trampoline_lowered:
0x8: {  	[smem:$0x3FAF] =	sst s0  }
0x9: {  	[smem:$0x3FB0] =	sst s1  }
0xa: {  	[smem:$0x3FB1] =	sst s2  }
0xb: {  	[smem:$0x3FB2] =	sst s3  }
0xc: {  	[smem:$0x3FB3] =	sst s4  }
0xd: {  	[smem:$0x3FB4] =	sst s5  }
0xe: {  	[smem:$0x3FB5] =	sst s6  }
0xf: {  	[smem:$0x3FB6] =	sst s7  }
0x10: {  	[smem:$0x3FB7] =	sst s8  }
0x11: {  	[smem:$0x3FB8] =	sst s9;
	s0 =	simm.s32 @!p0 $0x0  }
0x12: {  	s1 =	sld [smem:$0x3F9E];
	s0 =	simm.s32 @p0 $0x1  }
0x13: {  	[smem:$0x3FB9] =	sst s0;
	s0 =	simm.s32 @!p1 $0x0  }
0x14: {  	s2 =	sld [smem:$0x3F9D];
	s0 =	simm.s32 @p1 $0x1  }
0x15: {  	[smem:$0x3FBA] =	sst s0;
	s0 =	simm.s32 @!p2 $0x0  }
0x16: {  	s3 =	sld [smem:$0x3FDB];
	s0 =	simm.s32 @p2 $0x1  }
0x17: {  	s4 =	simm.s32 $0x1BF5;
	[smem:$0x3FBC] =	sst s0  }
0x18: {  	s0 =	sld [smem:$0x3F9F];
	_ =	swait.ge [sflag:s4], $0x0  }
0x19: {  	s7 =	sld [smem:$0x3FA0]  }
0x1a: {  	s8 =	sadd.s32 $0xFFFFE003, lr  }
0x1b: {  	s9 =	sadd.s32 $0xFFFFFEF7, lr;
	s5 =	simm.s32 $0xFFFFFFFF;
	p2 =	slt.u32 s8, $0xFFFFF086  }
0x1c: {  	p1 =	slt.u32 s9, $0xF7A;
	s5 =	simm.s32 @!p2 $0x0  }
0x1d: {  	s5 =	simm.s32 @p1 $0x1;
	p0 =	seq.s32 s7, s2  }
0x1e: {  	s7 =	smul.u32 @!p0 $0xF7A, s2;
	p2 =	seq.s32 @!p0 s5, $0x0  }
0x1f: {  	s9 =	smul.u32 $0xF7A, s1;
	s8 =	simm.s32 @!p0 $0x1BF5;
	p2 =	por !p2, p0  }
0x20: {  	[sflag:s8] =	ssyncset.s32 @!p0 $0xFFFFF086;
	s6 =	sadd.s32 @!p0 s3, s7;
	s7 =	simm.s32 @!p0 $0x108  }
0x21: {  	s3 =	sadd.s32 s3, s9;
	s6 =	sadd.s32 @!p0 $0x88, s6;
	s7 =	simm.s32 @p2 $0x1082  }
0x22: {  	[simem:s7], [sflag:s8] =	dma.local @!p0 [hbm:s6], $0xF7A  }
0x23: {  	s9 =	sor.u32 $0xD0000000, s2;
	s6 =	simm.s32 $0x108;
	_ =	swait.ge @!p0 [sflag:s8], $0x0  }
0x24: {  	s3 =	sadd.s32 $0x88, s3;
	s6 =	simm.s32 @!p1 $0x1082;
	[sflag:s4] =	ssyncset.s32 $0xFFFFF086  }
0x25: {  	[simem:s6], [sflag:s4] =	dma.local [hbm:s3], $0xF7A  }
0x26: {  	[smem:$0x3FA0] =	sst s1;
	(tag) =	ssettag s2;
	_ =	strace s9  }
0x27: {  	s1 =	sld [smem:$0x3FB0]  }
0x28: {  	s2 =	sld [smem:$0x3FB1]  }
0x29: {  	s4 =	sld [smem:$0x3FB3]  }
0x2a: {  	p0 =	seq.s32 s5, $0x0;
	s5 =	sld [smem:$0x3FB4]  }
0x2b: {  	s6 =	sld [smem:$0x3FB5]  }
0x2c: {  	s7 =	sld [smem:$0x3FB6]  }
0x2d: {  	s3 =	simm.s32 $0x108;
	s8 =	sld [smem:$0x3FB7]  }
0x2e: {  	s3 =	simm.s32 @!p0 $0x1082;
	s9 =	sld [smem:$0x3FB8]  }
0x2f: {  	lr =	sadd.s32 s0, s3;
	s0 =	sld [smem:$0x3FAF]  }
0x30: {  	s3 =	sld [smem:$0x3FB2]  }
0x31: {  	[smem:$0x3FBB] =	sst s10  }
0x32: {  	s10 =	sld [smem:$0x3FB9];
	_ =	sdelay $0x3  }
0x33: {  	p0 =	seq.s32 s10, $0x1;
	s10 =	sld [smem:$0x3FBB];
	_ =	sdelay $0x3  }
0x34: {  	[smem:$0x3FBB] =	sst s10  }
0x35: {  	s10 =	sld [smem:$0x3FBA];
	_ =	sdelay $0x3  }
0x36: {  	p1 =	seq.s32 s10, $0x1;
	s10 =	sld [smem:$0x3FBB];
	_ =	sdelay $0x3  }
0x37: {  	[smem:$0x3FBB] =	sst s10  }
0x38: {  	s10 =	sld [smem:$0x3FBC]  }
0x39: {  	_ = 	snop;
	(pc) =	sbr.ind lr, $3  }
0x3a: {  	_ = 	snop  }
0x3b: {  	_ = 	snop  }
0x3c: {  	p2 =	seq.s32 s10, $0x1;
	s10 =	sld [smem:$0x3FBB]  }
0x3d: {  	_ =	shalt  }
0x3e: {  	_ =	shalt  }
0x3f: {  	_ =	shalt  }
0x40: {  	_ =	shalt  }
0x41: {  	_ =	shalt  }
0x42: {  	_ =	shalt  }
0x43: {  	_ =	shalt  }
0x44: {  	_ =	shalt  }
0x45: {  	_ =	shalt  }
0x46: {  	_ =	shalt  }
0x47: {  	_ =	shalt  }
0x48: {  	_ =	shalt  }
0x49: {  	_ =	shalt  }
0x4a: {  	_ =	shalt  }
0x4b: {  	_ =	shalt  }
0x4c: {  	_ =	shalt  }
0x4d: {  	_ =	shalt  }
0x4e: {  	_ =	shalt  }
0x4f: {  	_ =	shalt  }
0x50: {  	_ =	shalt  }
0x51: {  	_ =	shalt  }
0x52: {  	_ =	shalt  }
0x53: {  	_ =	shalt  }
0x54: {  	_ =	shalt  }
0x55: {  	_ =	shalt  }
0x56: {  	_ =	shalt  }
0x57: {  	_ =	shalt  }
0x58: {  	_ =	shalt  }
0x59: {  	_ =	shalt  }
0x5a: {  	_ =	shalt  }
0x5b: {  	_ =	shalt  }
0x5c: {  	_ =	shalt  }
0x5d: {  	_ =	shalt  }
0x5e: {  	_ =	shalt  }
0x5f: {  	_ =	shalt  }
0x60: {  	_ =	shalt  }
0x61: {  	_ =	shalt  }
0x62: {  	_ =	shalt  }
0x63: {  	_ =	shalt  }
0x64: {  	_ =	shalt  }
0x65: {  	_ =	shalt  }
0x66: {  	_ =	shalt  }
0x67: {  	_ =	shalt  }
0x68: {  	_ =	shalt  }
0x69: {  	_ =	shalt  }
0x6a: {  	_ =	shalt  }
0x6b: {  	_ =	shalt  }
0x6c: {  	_ =	shalt  }
0x6d: {  	_ =	shalt  }
0x6e: {  	_ =	shalt  }
0x6f: {  	_ =	shalt  }
0x70: {  	_ =	shalt  }
0x71: {  	_ =	shalt  }
0x72: {  	_ =	shalt  }
0x73: {  	_ =	shalt  }
0x74: {  	_ =	shalt  }
0x75: {  	_ =	shalt  }
0x76: {  	_ =	shalt  }
0x77: {  	_ =	shalt  }
0x78: {  	_ =	shalt  }
0x79: {  	_ =	shalt  }
0x7a: {  	_ =	shalt  }
0x7b: {  	_ =	shalt  }
0x7c: {  	_ =	shalt  }
0x7d: {  	_ =	shalt  }
0x7e: {  	_ =	shalt  }
0x7f: {  	_ =	shalt  }
0x80: {  	_ =	shalt  }
0x81: {  	_ =	shalt  }
0x82: {  	_ =	shalt  }
0x83: {  	_ =	shalt  }
0x84: {  	_ =	shalt  }
0x85: {  	_ =	shalt  }
0x86: {  	_ =	shalt  }
0x87: {  	_ =	shalt  }
.Lfunc_end0:
.L_simem_size_0:
called_computation_lowered:
.L_overlay_start_0:
0x88: {  	s2 =	sld [smem:$0x3FD9]  }
0x89: {  	s3 =	sld [smem:$0x3FFE];
	_ =	sdelay $0x1  }
0x8a: {  	s1 =	srdreg.scid  }
0x8b: {  	s0 =	sand.u32 $0x1, s1  }
0x8c: {  	s17 =	sshll.u32 s0, $0xA;
	s2 =	sadd.s32 s3, s2  }
0x8d: {  	s2 =	sadd.s32 s2, s17  }
0x8e: {  	[smem:$0x3FC7] =	sst s2  }
0x8f: {  	_ = 	snop  }
0x90: {  	s2 =	sld [smem:$0x3FD0];
	(tm) =	ssettm $0x1  }
0x91: {  	s18 =	sld [smem:$0x3FFB];
	_ =	sdelay $0x3  }
0x92: {  	_ =	strace s18  }
0x93: {  	s3 =	sld [smem:$0x3FFC];
	_ =	sdelay $0x3  }
0x94: {  	_ =	strace s3  }
0x95: {  	s3 =	sld [smem:$0x3FFD];
	_ =	sdelay $0x3  }
0x96: {  	_ =	strace s3  }
0x97: {  	_ =	strace $0x8FFFFFFF  }
0x98: {  	s19 =	sld [smem:$0x3FDB];
	_ =	sdelay $0x1  }
0x99: {  	s4 =	simm.s32 $_scs_section_size  }
0x9a: {  	s5 =	simm.s32 $_size__tile_overlayer_lowered;
	s6 =	simm.s32 $_tile_overlayer_lowered  }
0x9b: {  	s22 =	simm.s32 $0x1BFF;
	s21 =	sshll.u32 s6, $0x1;
	s3 =	sadd.s32 s4, s19  }
0x9c: {  	s7 =	simm.s32 $0x0;
	s20 =	sshll.u32 s5, $0x1;
	s5 =	sadd.s32 s21, s3  }
0x9d: {  	[timem:s7], [sflag:s22] =	dma.local [hbm:s5], s20  }
0x9e: {  	_ =	swait.ge [sflag:s22], s20  }
0x9f: {  	s4 =	ssub.s32 $0x0, s20;
	[sflag:s22] =	ssyncset.done $0x0  }
0xa0: {  	[sflag:s22] =	ssyncadd.s32 s4;
	_ =	sdelay $0x1  }
0xa1: {  	s23 =	simm.s32 $0x1B8B  }
0xa2: {  	_ =	swait.ge [sflag:s23], $0x1  }
0xa3: {  	[sflag:s23] =	ssyncset.done $0x0  }
0xa4: {  	s25 =	simm.s32 $0x1B8E;
	s24 =	sld [smem:$0x3FFE];
	[sflag:s23] =	ssyncadd.s32 $0xFFFFFFFF  }
0xa5: {  	s26 =	simm.s32 $execute0_lowered;
	[smem:$0x3FD2] =	sst s25  }
0xa6: {  	s5 =	sshll.u32 s26, $0x1;
	_ =	strace $0x80000046;
	[dreg:$0x1] =	wrdreg $0xFFFFFFFF  }
0xa7: {  	s28 =	simm.s32 $_size_execute0_lowered;
	s3 =	sadd.s32 s3, s5;
	[dreg:$0x0] =	wrdreg $0x0  }
0xa8: {  	s5 =	sshll.u32 s28, $0x1;
	[dreg:$0x2] =	wrdreg s3  }
0xa9: {  	[dreg:$0x3] =	wrdreg s5  }
0xaa: {  	[dreg:$0x4] =	wrdreg $0xC0  }
0xab: {  	_ =	task [dreg:s7], $0x5FFFF  }
0xac: {  	[dreg:$0x1] =	wrdreg $0xFFFFFFFF  }
0xad: {  	[dreg:$0x0] =	wrdreg $0x60  }
0xae: {  	[dreg:$0x2] =	wrdreg s24  }
0xaf: {  	[dreg:$0x3] =	wrdreg s2  }
0xb0: {  	[dreg:$0x4] =	wrdreg $0x2B000  }
0xb1: {  	[dreg:$0x5] =	wrdreg $0x9  }
0xb2: {  	_ =	task.clear_ibuf [dreg:s7], $0x6FFFF;
	_ =	strace $0x90000046  }
0xb3: {  	s29 =	simm.s32 $0x9;
	_ =	strace $0x80000048  }
0xb4: {  	_ =	swait.ge [sflag:s29], $0x1  }
0xb5: {  	[sflag:s29] =	ssyncadd.s32 $0xFFFFFFFF  }
0xb6: {  	_ =	strace $0x90000048  }
0xb7: {  	_ =	sfence  }
0xb8: {  	s30 =	sld [smem:$0x0];
	_ =	sdelay $0x2  }
0xb9: {  	s31 =	sshll.u32 s1, $0xD;
	s1 =	sshrl.u32 s1, $0x2  }
0xba: {  	s3 =	sand.u32 $0x4000, s31;
	s1 =	sadd.s32 s1, s30  }
0xbb: {  	s0 =	sor.u32 s3, s0;
	s1 =	sshll.u32 s1, $0x11  }
0xbc: {  	s0 =	sor.u32 s1, s0  }
0xbd: {  	s0 =	sadd.s32 $0x8F2B, s0  }
0xbe: {  	[sflag:s0] =	ssyncadd.remote.s32 $0x1  }
0xbf: {  	_ =	sfence.sel $0xFFFF  }
0xc0: {  	[dreg:$0x0] =	wrdreg $0xFFFFFFFF;
	(pc) =	sbr.abs _section_cstart, $3  }
0xc1: {  	[dreg:$0x1] =	wrdreg $0xFFFFFFFF  }
0xc2: {  	_ =	task.clear_ibuf [dreg:s7], $0x2FFFF;
	_ =	strace $0x9FFFFFFF  }
0xc3: {  	(tm) =	ssettm $0x7FFFFFFF  }
tec
execute0_lowered:
.L_overlay_start_1:
0x0: {  	(tag) =	ssettag $0x1  }
0x1: {  	s4 =	rddreg [dreg:$0x0]  }
0x2: {  	s6 =	rddreg [dreg:$0x1]  }
0x3: {  	s0 =	srdreg.scid;
	s2 =	rddreg [dreg:$0x2]  }
0x4: {  	s3 =	simm.s32 $0x0;
	s11 =	simm.s32 $0x2800;
	s14 =	simm.s32 $0x20  }
0x5: {  	s15 =	simm.s32 $0x10;
	s5 =	sand.u32 $0x1, s0;
	s0 =	stileid.u32  }
0x6: {  	s16 =	simm.s32 $0x0;
	[smem:$0x7FF] =	sst s3;
	s8 =	smul.u32 $0xA00, s0  }
0x7: {  	s1 =	sshll.u32 s5, $0x4;
	s9 =	ssub.s32 $0x2, s5;
	s10 =	smul.u32 $0x500, s0  }
0x8: {  	s5 =	sshll.u32 s5, $0x7;
	s12 =	sshll.u32 s0, $0x6;
	s7 =	sor.u32 s0, s1  }
0x9: {  	s1 =	rddreg [dreg:$0x3];
	_ =	strace $0x80000047;
	s28 =	sshrl.u32 s9, $0x1  }
0xa: {  	s12 =	sor.u32 $0x1C01, s12;
	s7 =	smul.u32 $0x500, s7;
	s9 =	ssub.s32 s9, s28  }
0xb: {  	s29 =	sshrl.u32 s8, $0x2;
	s30 =	sor.u32 s5, s10;
	s8 =	simm.s32 $0x2880  }
0xc: {  	s10 =	simm.s32 $0x80;
	s31 =	sshrl.u32 s30, $0x3;
	s7 =	sadd.s32 s7, s4  }
0xd: {  	s4 =	sadd.s32 s29, s2;
	s6 =	sadd.s32 s6, s31;
	s5 =	sadd.s32 $0x400, s7  }
0xe: {  	v0 =	vimm.f32 $0.0e+00;
	v1 =	vimm.f32 $1.000000000e+00;
	s7 =	smax.u32 s9, $0x1;
	s9 =	simm.s32 $0x1;
	s13 =	sshrl.u32 s4, $0x3  }
.LBB2_1:
0xf: {  	[tilespmem:$0x2880] =	vst v0  }
0x10: {  	[tilespmem:$0x2890] =	vst v0  }
0x11: {  	[tilespmem:$0x28A0] =	vst v0  }
0x12: {  	[tilespmem:$0x28B0] =	vst v0  }
0x13: {  	[tilespmem:$0x28C0] =	vst v0  }
0x14: {  	[tilespmem:$0x28D0] =	vst v0  }
0x15: {  	[tilespmem:$0x28E0] =	vst v0  }
0x16: {  	[tilespmem:$0x28F0] =	vst v0  }
0x17: {  	[tilespmem:$0x2900] =	vst v0  }
0x18: {  	[tilespmem:$0x2910] =	vst v0  }
0x19: {  	[tilespmem:$0x2920] =	vst v0  }
0x1a: {  	[tilespmem:$0x2930] =	vst v0  }
0x1b: {  	[tilespmem:$0x2940] =	vst v0  }
0x1c: {  	[tilespmem:$0x2950] =	vst v0  }
0x1d: {  	[tilespmem:$0x2960] =	vst v0  }
0x1e: {  	[tilespmem:$0x2970] =	vst v0  }
0x1f: {  	[tilespmem:$0x2980] =	vst v0  }
0x20: {  	[tilespmem:$0x2990] =	vst v0  }
0x21: {  	[tilespmem:$0x29A0] =	vst v0  }
0x22: {  	[tilespmem:$0x29B0] =	vst v0  }
0x23: {  	[tilespmem:$0x29C0] =	vst v0  }
0x24: {  	[tilespmem:$0x29D0] =	vst v0  }
0x25: {  	[tilespmem:$0x29E0] =	vst v0  }
0x26: {  	[tilespmem:$0x29F0] =	vst v0  }
0x27: {  	[tilespmem:$0x2A00] =	vst v0  }
0x28: {  	[tilespmem:$0x2A10] =	vst v0  }
0x29: {  	[tilespmem:$0x2A20] =	vst v0  }
0x2a: {  	[tilespmem:$0x2A30] =	vst v0  }
0x2b: {  	[tilespmem:$0x2A40] =	vst v0  }
0x2c: {  	[tilespmem:$0x2A50] =	vst v0  }
0x2d: {  	[tilespmem:$0x2A60] =	vst v0  }
0x2e: {  	[tilespmem:$0x2A70] =	vst v0  }
0x2f: {  	[tilespmem:$0x2A80] =	vst v0  }
0x30: {  	[tilespmem:$0x2A90] =	vst v0  }
0x31: {  	[tilespmem:$0x2AA0] =	vst v0  }
0x32: {  	[tilespmem:$0x2AB0] =	vst v0  }
0x33: {  	[tilespmem:$0x2AC0] =	vst v0  }
0x34: {  	[tilespmem:$0x2AD0] =	vst v0  }
0x35: {  	[tilespmem:$0x2AE0] =	vst v0  }
0x36: {  	[tilespmem:$0x2AF0] =	vst v0  }
0x37: {  	[tilespmem:$0x2800] =	vst v1  }
0x38: {  	[tilespmem:$0x2810] =	vst v1  }
0x39: {  	[tilespmem:$0x2820] =	vst v1  }
0x3a: {  	[tilespmem:$0x2830] =	vst v1  }
0x3b: {  	[tilespmem:$0x2840] =	vst v1  }
0x3c: {  	[tilespmem:$0x2850] =	vst v1  }
0x3d: {  	[tilespmem:$0x2860] =	vst v1  }
0x3e: {  	[tilespmem:$0x2870] =	vst v1  }
0x3f: {  	[spmem:s4] =	stream.linear.scatter [tilespmem:s8], [sflag:$0x1], $0x280, $0x38;
	[tilespmem:$0x2D80] =	vst v63  }
0x40: {  	_ =	swait.ge [sflag:s9], $0x280  }
0x41: {  	[sflag:s9] =	ssyncset.done $0x0  }
0x42: {  	[sflag:s9] =	ssyncadd.s32 $0xFFFFFD80  }
0x43: {  	[bflag:$0x0] =	sbarrier.arrive $0xFFFF  }
0x44: {  	[tilespmem:s3], [sflag:$0x1] =	stream.linear.gather [hbm4b:s5+s3], $0x2780, $0x38;
	[tilespmem:$0x2D80] =	vst v63  }
0x45: {  	_ =	swait.ge [sflag:s9], $0x2780  }
0x46: {  	[sflag:s9] =	ssyncset.done $0x0  }
0x47: {  	s17 =	simm.s32 $0x0;
	[sflag:s9] =	ssyncadd.s32 $0xFFFFD880  }
0x48: {  	[spmem:s2] =	stream.indirect.scatter.add.f32 [tilespmem:s11], [sflag:$0x1], $0x1, s17, s10, $0xb8;
	[tilespmem:$0x2D80] =	vst v63  }
0x49: {  	_ =	swait.ge [sflag:s9], $0x80  }
0x4a: {  	s17 =	simm.s32 $0x200;
	[sflag:s9] =	ssyncset.done $0x0  }
.LBB2_2:
0x4b: {  	s18 =	sshra.s32 s17, $0x2;
	[sflag:s9] =	ssyncadd.s32 $0xFFFFFF80;
	p0 =	sne.s32 s17, $0x9C00  }
0x4c: {  	[spmem:s2] =	stream.indirect.scatter.add.f32 [tilespmem:s11], [sflag:$0x1], $0x1, s18, s10, $0xb8;
	[tilespmem:$0x2D80] =	vst v63  }
.Ltmp0:
0x4d: {  	_ = 	snop;
	(pc) =	sbr.rel @p0 .LBB2_2-.Ltmp0, $4  }
0x4e: {  	_ = 	snop  }
0x4f: {  	s17 =	sadd.s32 $0x200, s17  }
0x50: {  	_ =	swait.ge [sflag:s9], $0x80  }
0x51: {  	[sflag:s9] =	ssyncset.done $0x0  }
0x52: {  	s16 =	sadd.s32 $0x1, s16  }
0x53: {  	[sflag:s9] =	ssyncadd.s32 $0xFFFFFF80;
	p0 =	sne.s32 s16, s7  }
.Ltmp1:
0x54: {  	[bflag:$0x0] =	sbarrier.arrive $0xFFFF;
	(pc) =	sbr.rel @p0 .LBB2_1-.Ltmp1, $4  }
0x55: {  	[hbm:s6@s14], [sflag:s12] =	dma.strided [spmem:s13@s15], $0x50, s9, $0x10   }
0x56: {  	_ =	swait.ge [sflag:s9], $0x50  }
0x57: {  	[sflag:s9] =	ssyncset.done $0x0  }
0x58: {  	[sflag:s9] =	ssyncadd.s32 $0xFFFFFFB0  }
0x59: {  	_ =	sfence.sel $0x180000  }
0x5a: {  	[bflag:$0x0] =	sbarrier.arrive $0xFFFF  }
0x5b: {  	p0 =	sne.s32 s0, $0x0;
	_ =	strace $0x90000047  }
0x5c: {  	s0 =	sadd.s32 @!p0 $0x100000, s1;
	[bflag:$0x2] =	sbarrier.arrive $0xFFFF  }
0x5d: {  	[sflag:s0] =	ssyncadd.tile.s32 @!p0 $0x1;
	_ =	shalt  }
.Lfunc_end2:
_tile_overlayer_lowered:
.L_overlay_start_2:
0x5e: {  	(tag) =	ssettag $0x2  }
0x5f: {  	s0 =	rddreg [dreg:$0x0];
	s2 =	stileid.u32  }
0x60: {  	s1 =	rddreg [dreg:$0x1];
	p0 =	sne.s32 s2, $0x0  }
0x61: {  	s3 =	rddreg [dreg:$0x2];
	[bflag:$0x3] =	sbarrier.arrive $0xFFFF;
	s2 =	simm.s32 @!p0 $0x1C01  }
0x62: {  	[timem:s3], [sflag:s2] =	dma.local @!p0 [hbm:s0], s1  }
0x63: {  	s0 =	simm.s32 @!p0 $0x1  }
0x64: {  	_ =	swait.ge @!p0 [sflag:s0], s1  }
0x65: {  	s1 =	ssub.s32 @!p0 $0x0, s1;
	[sflag:s0] =	ssyncset.done @!p0 $0x0  }
0x66: {  	[sflag:s0] =	ssyncadd.s32 @!p0 s1  }
0x67: {  	[bflag:$0x3] =	sbarrier.arrive $0xFFFF  }
0x68: {  	_ =	shalt  }

</sc_bundles>
